<compile_context>
chip_gen: v7x
topology: tpu7x:2x2x1
jax: 0.10.2.dev20260603
libtpu: 0.0.44.dev20260713+nightly
codegen_flags: <defaults>
</compile_context>

<pallas_src>
import functools

import jax
import jax.numpy as jnp
from jax import lax
from jax.experimental import pallas as pl
from jax.experimental.pallas import tpu as pltpu
from jax.experimental.pallas import tpu_sc as plsc

_NC = 2
_NS = 16
_NW = _NC * _NS
_CHUNK = 128


@functools.partial(jax.jit, static_argnums=(2, 3))
def _sc_embedding_gather(tokens_3d, table, b, d):
    b_per_w = b // _NW
    n_chunks = b_per_w // _CHUNK
    mesh = plsc.VectorSubcoreMesh(core_axis_name="c", subcore_axis_name="s")

    @functools.partial(
        pl.kernel,
        mesh=mesh,
        out_type=jax.ShapeDtypeStruct((b, d), jnp.float32),
        scratch_types=[
            pltpu.VMEM((n_chunks, _CHUNK), jnp.int32),
            pltpu.VMEM((_CHUNK, d), jnp.float32),
            pltpu.VMEM((_CHUNK, d), jnp.float32),
            pltpu.SemaphoreType.DMA,
            pltpu.SemaphoreType.DMA,
        ],
    )
    def k(tok_hbm, tab_hbm, out_hbm, idx_v, rows_a, rows_b, sem_a, sem_b):
        wid = lax.axis_index("s") * _NC + lax.axis_index("c")
        base = wid * b_per_w

        pltpu.sync_copy(tok_hbm.at[wid], idx_v)

        def gather_start(c, buf, sem):
            pltpu.make_async_copy(tab_hbm.at[idx_v.at[c]], buf, sem).start()

        def gather_wait(buf, sem):
            pltpu.make_async_copy(tab_hbm.at[idx_v.at[0]], buf, sem).wait()

        def write_out(c, buf):
            pltpu.sync_copy(buf, out_hbm.at[pl.ds(base + c * _CHUNK, _CHUNK)])

        gather_start(0, rows_a, sem_a)

        def body(j, carry):
            c0 = 2 * j
            c1 = c0 + 1
            gather_wait(rows_a, sem_a)
            gather_start(c1, rows_b, sem_b)
            write_out(c0, rows_a)
            gather_wait(rows_b, sem_b)
            gather_start(lax.min(c0 + 2, n_chunks - 1), rows_a, sem_a)
            write_out(c1, rows_b)
            return carry

        lax.fori_loop(0, n_chunks // 2, body, 0)
        gather_wait(rows_a, sem_a)

    return k(tokens_3d, table)


def kernel(integer_tokens, token_embedding):
    bsz, seq = integer_tokens.shape
    d = token_embedding.shape[1]
    n = bsz * seq
    tok3d = integer_tokens.reshape(_NW, n // (_NW * _CHUNK), _CHUNK)
    out = _sc_embedding_gather(tok3d, token_embedding, n, d)
    return out.reshape(bsz, seq, d)

# --- scband reference (transcript-rebuilt; emitter-appended) ---
"""Pipeline reference for scband-binned-tokenizer-10170482557659 (READ-ONLY COPY).

The authoritative reference and input builder live on the scoring server;
editing this copy changes nothing except your own understanding.
"""

import jax, jax.numpy as jnp
import numpy as np

VOCAB = 886
EMBED = 256

def setup_inputs(seed: int = 0) -> dict:
    key = jax.random.key(seed)
    k_idx, k_tab = jax.random.split(key)
    integer_tokens = jax.random.randint(k_idx, (1024, 200), 0, VOCAB, dtype=jnp.int32)
    token_embedding = jax.random.normal(k_tab, (VOCAB, EMBED), dtype=jnp.float32)
    # nn.Embedding(padding_idx=0) initializes row 0 to zeros
    token_embedding = token_embedding.at[0].set(0.0)
    return {"integer_tokens": integer_tokens, "token_embedding": token_embedding}

def reference(integer_tokens, token_embedding):
    # Faithful translation of nn.Embedding lookup: [B, T] -> [B, T, embed_dim]
    embedded = jnp.take(token_embedding, integer_tokens, axis=0)
    return embedded

if __name__ == "__main__":
    import jax
    _d = setup_inputs()
    print(jax.jit(kernel)(*tuple(_d.values())))

</pallas_src>

<mosaic_0001>
#map = affine_map<(d0, d1) -> (0, 0, 0)>
#map1 = affine_map<(d0, d1) -> (0, 0)>
module attributes {stable_mosaic.version = 14 : i64} {
  func.func @k(%arg0: i32, %arg1: i32, %arg2: memref<32x50x128xi32, #tpu.memory_space<hbm>>, %arg3: memref<886x256xf32, #tpu.memory_space<hbm>>, %arg4: memref<204800x256xf32, #tpu.memory_space<hbm>>, %arg5: memref<50x128xi32, #tpu.memory_space<vmem>>, %arg6: memref<128x256xf32, #tpu.memory_space<vmem>>, %arg7: memref<128x256xf32, #tpu.memory_space<vmem>>, %arg8: memref<!tpu.dma_semaphore, #tpu.memory_space<semaphore_mem>>, %arg9: memref<!tpu.dma_semaphore, #tpu.memory_space<semaphore_mem>>) attributes {dimension_semantics = [#tpu.dimension_semantics<core_parallel>, #tpu.dimension_semantics<subcore_parallel>], iteration_bounds = array<i64: 2, 16>, scalar_prefetch = 0 : i64, scratch_operands = 5 : i64, tpu.core_type = #tpu.core_type<sc_vector_subcore>, window_params = [{transform_indices = #map}, {transform_indices = #map1}, {transform_indices = #map1}]} {
    %mul3A = arith.constant 2 : i32
    %mul3A_0 = arith.muli %arg1, %mul3A : i32
    %add3A = arith.addi %mul3A_0, %arg0 : i32
    %mul3A_1 = arith.constant 6400 : i32
    %mul3A_2 = arith.muli %add3A, %mul3A_1 : i32
    "tpu.region"() ({
      %run_scoped3A = tpu.sem_alloc : memref<!tpu.dma_semaphore, #tpu.memory_space<semaphore_mem>>
      %dma_start3A_20 = arith.constant 0 : i32
      %dma_start3A_21 = arith.constant 0 : i32
      %dma_start3A_22 = tpu.memref_slice %arg2[%add3A, %dma_start3A_20, %dma_start3A_21] : memref<32x50x128xi32, #tpu.memory_space<hbm>> -> memref<1x50x128xi32, #tpu.memory_space<hbm>>
      %dma_start3A_23 = tpu.memref_squeeze %dma_start3A_22 : memref<1x50x128xi32, #tpu.memory_space<hbm>> -> memref<50x128xi32, #tpu.memory_space<hbm>>
      %dma_start3A_24 = arith.constant 0 : i32
      %dma_start3A_25 = arith.constant 0 : i32
      %dma_start3A_26 = tpu.memref_slice %arg2[%add3A, %dma_start3A_24, %dma_start3A_25] : memref<32x50x128xi32, #tpu.memory_space<hbm>> -> memref<1x50x128xi32, #tpu.memory_space<hbm>>
      %dma_start3A_27 = tpu.memref_squeeze %dma_start3A_26 : memref<1x50x128xi32, #tpu.memory_space<hbm>> -> memref<50x128xi32, #tpu.memory_space<hbm>>
      tpu.enqueue_dma source(%dma_start3A_27 : memref<50x128xi32, #tpu.memory_space<hbm>>) target(%arg5 : memref<50x128xi32, #tpu.memory_space<vmem>>) target_semaphore(%run_scoped3A : memref<!tpu.dma_semaphore, #tpu.memory_space<semaphore_mem>>)
      %dma_wait3A_28 = arith.constant 0 : i32
      %dma_wait3A_29 = arith.constant 0 : i32
      %dma_wait3A_30 = tpu.memref_slice %arg2[%add3A, %dma_wait3A_28, %dma_wait3A_29] : memref<32x50x128xi32, #tpu.memory_space<hbm>> -> memref<1x50x128xi32, #tpu.memory_space<hbm>>
      %dma_wait3A_31 = tpu.memref_squeeze %dma_wait3A_30 : memref<1x50x128xi32, #tpu.memory_space<hbm>> -> memref<50x128xi32, #tpu.memory_space<hbm>>
      %dma_wait3A_32 = arith.constant 0 : i32
      %dma_wait3A_33 = arith.constant 0 : i32
      %dma_wait3A_34 = tpu.memref_slice %arg2[%add3A, %dma_wait3A_32, %dma_wait3A_33] : memref<32x50x128xi32, #tpu.memory_space<hbm>> -> memref<1x50x128xi32, #tpu.memory_space<hbm>>
      %dma_wait3A_35 = tpu.memref_squeeze %dma_wait3A_34 : memref<1x50x128xi32, #tpu.memory_space<hbm>> -> memref<50x128xi32, #tpu.memory_space<hbm>>
      tpu.wait_dma2 semaphore(%run_scoped3A : memref<!tpu.dma_semaphore, #tpu.memory_space<semaphore_mem>>) src(%dma_wait3A_35 : memref<50x128xi32, #tpu.memory_space<hbm>>) dst(%arg5 : memref<50x128xi32, #tpu.memory_space<vmem>>)
      tpu.yield
    }) : () -> ()
    %dma_start3A = arith.constant 0 : i32
    %dma_start3A_3 = arith.constant 0 : i32
    %dma_start3A_4 = tpu.memref_slice %arg5[%dma_start3A, %dma_start3A_3] : memref<50x128xi32, #tpu.memory_space<vmem>> -> memref<1x128xi32, #tpu.memory_space<vmem>>
    %dma_start3A_5 = tpu.memref_squeeze %dma_start3A_4 : memref<1x128xi32, #tpu.memory_space<vmem>> -> memref<128xi32, #tpu.memory_space<vmem>>
    %dma_start3A_6 = arith.constant 0 : i32
    %dma_start3A_7 = arith.constant 0 : i32
    %dma_start3A_8 = tpu.memref_slice %arg3[%dma_start3A_6, %dma_start3A_7] : memref<886x256xf32, #tpu.memory_space<hbm>> -> memref<886x256xf32, #tpu.memory_space<hbm>>
    tpu.enqueue_indirect_dma source(%dma_start3A_8 : memref<886x256xf32, #tpu.memory_space<hbm>>) target(%arg6 : memref<128x256xf32, #tpu.memory_space<vmem>>) offsets(%dma_start3A_5 : memref<128xi32, #tpu.memory_space<vmem>>) semaphore(%arg8 : memref<!tpu.dma_semaphore, #tpu.memory_space<semaphore_mem>>)
    %scan3A = arith.constant 0 : i32
    %scan3A_9 = arith.constant 0 : i32
    %scan3A_10 = arith.constant 25 : i32
    %scan3A_11 = arith.addi %scan3A_9, %scan3A_10 : i32
    %scan3A_12 = arith.constant 1 : i32
    scf.for %scan3A_20 = %scan3A_9 to %scan3A_11 step %scan3A_12  : i32 {
      %mul3A_21 = arith.constant 2 : i32
      %mul3A_22 = arith.muli %mul3A_21, %scan3A_20 : i32
      %add3A_23 = arith.constant 1 : i32
      %add3A_24 = arith.addi %mul3A_22, %add3A_23 : i32
      %dma_wait3A_25 = arith.constant 0 : i32
      %dma_wait3A_26 = arith.constant 0 : i32
      %dma_wait3A_27 = tpu.memref_slice %arg5[%dma_wait3A_25, %dma_wait3A_26] : memref<50x128xi32, #tpu.memory_space<vmem>> -> memref<1x128xi32, #tpu.memory_space<vmem>>
      %dma_wait3A_28 = tpu.memref_squeeze %dma_wait3A_27 : memref<1x128xi32, #tpu.memory_space<vmem>> -> memref<128xi32, #tpu.memory_space<vmem>>
      %dma_wait3A_29 = arith.constant 0 : i32
      %dma_wait3A_30 = arith.constant 0 : i32
      %dma_wait3A_31 = tpu.memref_slice %arg3[%dma_wait3A_29, %dma_wait3A_30] : memref<886x256xf32, #tpu.memory_space<hbm>> -> memref<886x256xf32, #tpu.memory_space<hbm>>
      tpu.wait_indirect_dma semaphore(%arg8 : memref<!tpu.dma_semaphore, #tpu.memory_space<semaphore_mem>>) src(%dma_wait3A_31 : memref<886x256xf32, #tpu.memory_space<hbm>>) dst(%arg6 : memref<128x256xf32, #tpu.memory_space<vmem>>)
      %dma_start3A_32 = arith.constant 0 : i32
      %dma_start3A_33 = tpu.memref_slice %arg5[%add3A_24, %dma_start3A_32] : memref<50x128xi32, #tpu.memory_space<vmem>> -> memref<1x128xi32, #tpu.memory_space<vmem>>
      %dma_start3A_34 = tpu.memref_squeeze %dma_start3A_33 : memref<1x128xi32, #tpu.memory_space<vmem>> -> memref<128xi32, #tpu.memory_space<vmem>>
      %dma_start3A_35 = arith.constant 0 : i32
      %dma_start3A_36 = arith.constant 0 : i32
      %dma_start3A_37 = tpu.memref_slice %arg3[%dma_start3A_35, %dma_start3A_36] : memref<886x256xf32, #tpu.memory_space<hbm>> -> memref<886x256xf32, #tpu.memory_space<hbm>>
      tpu.enqueue_indirect_dma source(%dma_start3A_37 : memref<886x256xf32, #tpu.memory_space<hbm>>) target(%arg7 : memref<128x256xf32, #tpu.memory_space<vmem>>) offsets(%dma_start3A_34 : memref<128xi32, #tpu.memory_space<vmem>>) semaphore(%arg9 : memref<!tpu.dma_semaphore, #tpu.memory_space<semaphore_mem>>)
      %mul3A_38 = arith.constant 128 : i32
      %mul3A_39 = arith.muli %mul3A_22, %mul3A_38 : i32
      %add3A_40 = arith.addi %mul3A_2, %mul3A_39 : i32
      "tpu.region"() ({
        %run_scoped3A = tpu.sem_alloc : memref<!tpu.dma_semaphore, #tpu.memory_space<semaphore_mem>>
        %dma_start3A_60 = arith.constant 0 : i32
        %dma_start3A_61 = tpu.memref_slice %arg4[%add3A_40, %dma_start3A_60] : memref<204800x256xf32, #tpu.memory_space<hbm>> -> memref<128x256xf32, #tpu.memory_space<hbm>>
        %dma_start3A_62 = arith.constant 0 : i32
        %dma_start3A_63 = tpu.memref_slice %arg4[%add3A_40, %dma_start3A_62] : memref<204800x256xf32, #tpu.memory_space<hbm>> -> memref<128x256xf32, #tpu.memory_space<hbm>>
        tpu.enqueue_dma source(%arg6 : memref<128x256xf32, #tpu.memory_space<vmem>>) target(%dma_start3A_63 : memref<128x256xf32, #tpu.memory_space<hbm>>) target_semaphore(%run_scoped3A : memref<!tpu.dma_semaphore, #tpu.memory_space<semaphore_mem>>)
        %dma_wait3A_64 = arith.constant 0 : i32
        %dma_wait3A_65 = tpu.memref_slice %arg4[%add3A_40, %dma_wait3A_64] : memref<204800x256xf32, #tpu.memory_space<hbm>> -> memref<128x256xf32, #tpu.memory_space<hbm>>
        %dma_wait3A_66 = arith.constant 0 : i32
        %dma_wait3A_67 = tpu.memref_slice %arg4[%add3A_40, %dma_wait3A_66] : memref<204800x256xf32, #tpu.memory_space<hbm>> -> memref<128x256xf32, #tpu.memory_space<hbm>>
        tpu.wait_dma2 semaphore(%run_scoped3A : memref<!tpu.dma_semaphore, #tpu.memory_space<semaphore_mem>>) src(%arg6 : memref<128x256xf32, #tpu.memory_space<vmem>>) dst(%dma_wait3A_67 : memref<128x256xf32, #tpu.memory_space<hbm>>)
        tpu.yield
      }) : () -> ()
      %dma_wait3A_41 = arith.constant 0 : i32
      %dma_wait3A_42 = arith.constant 0 : i32
      %dma_wait3A_43 = tpu.memref_slice %arg5[%dma_wait3A_41, %dma_wait3A_42] : memref<50x128xi32, #tpu.memory_space<vmem>> -> memref<1x128xi32, #tpu.memory_space<vmem>>
      %dma_wait3A_44 = tpu.memref_squeeze %dma_wait3A_43 : memref<1x128xi32, #tpu.memory_space<vmem>> -> memref<128xi32, #tpu.memory_space<vmem>>
      %dma_wait3A_45 = arith.constant 0 : i32
      %dma_wait3A_46 = arith.constant 0 : i32
      %dma_wait3A_47 = tpu.memref_slice %arg3[%dma_wait3A_45, %dma_wait3A_46] : memref<886x256xf32, #tpu.memory_space<hbm>> -> memref<886x256xf32, #tpu.memory_space<hbm>>
      tpu.wait_indirect_dma semaphore(%arg9 : memref<!tpu.dma_semaphore, #tpu.memory_space<semaphore_mem>>) src(%dma_wait3A_47 : memref<886x256xf32, #tpu.memory_space<hbm>>) dst(%arg7 : memref<128x256xf32, #tpu.memory_space<vmem>>)
      %add3A_48 = arith.constant 2 : i32
      %add3A_49 = arith.addi %mul3A_22, %add3A_48 : i32
      %min3A = arith.constant 49 : i32
      %min3A_50 = arith.minsi %add3A_49, %min3A : i32
      %dma_start3A_51 = arith.constant 0 : i32
      %dma_start3A_52 = tpu.memref_slice %arg5[%min3A_50, %dma_start3A_51] : memref<50x128xi32, #tpu.memory_space<vmem>> -> memref<1x128xi32, #tpu.memory_space<vmem>>
      %dma_start3A_53 = tpu.memref_squeeze %dma_start3A_52 : memref<1x128xi32, #tpu.memory_space<vmem>> -> memref<128xi32, #tpu.memory_space<vmem>>
      %dma_start3A_54 = arith.constant 0 : i32
      %dma_start3A_55 = arith.constant 0 : i32
      %dma_start3A_56 = tpu.memref_slice %arg3[%dma_start3A_54, %dma_start3A_55] : memref<886x256xf32, #tpu.memory_space<hbm>> -> memref<886x256xf32, #tpu.memory_space<hbm>>
      tpu.enqueue_indirect_dma source(%dma_start3A_56 : memref<886x256xf32, #tpu.memory_space<hbm>>) target(%arg6 : memref<128x256xf32, #tpu.memory_space<vmem>>) offsets(%dma_start3A_53 : memref<128xi32, #tpu.memory_space<vmem>>) semaphore(%arg8 : memref<!tpu.dma_semaphore, #tpu.memory_space<semaphore_mem>>)
      %mul3A_57 = arith.constant 128 : i32
      %mul3A_58 = arith.muli %add3A_24, %mul3A_57 : i32
      %add3A_59 = arith.addi %mul3A_2, %mul3A_58 : i32
      "tpu.region"() ({
        %run_scoped3A = tpu.sem_alloc : memref<!tpu.dma_semaphore, #tpu.memory_space<semaphore_mem>>
        %dma_start3A_60 = arith.constant 0 : i32
        %dma_start3A_61 = tpu.memref_slice %arg4[%add3A_59, %dma_start3A_60] : memref<204800x256xf32, #tpu.memory_space<hbm>> -> memref<128x256xf32, #tpu.memory_space<hbm>>
        %dma_start3A_62 = arith.constant 0 : i32
        %dma_start3A_63 = tpu.memref_slice %arg4[%add3A_59, %dma_start3A_62] : memref<204800x256xf32, #tpu.memory_space<hbm>> -> memref<128x256xf32, #tpu.memory_space<hbm>>
        tpu.enqueue_dma source(%arg7 : memref<128x256xf32, #tpu.memory_space<vmem>>) target(%dma_start3A_63 : memref<128x256xf32, #tpu.memory_space<hbm>>) target_semaphore(%run_scoped3A : memref<!tpu.dma_semaphore, #tpu.memory_space<semaphore_mem>>)
        %dma_wait3A_64 = arith.constant 0 : i32
        %dma_wait3A_65 = tpu.memref_slice %arg4[%add3A_59, %dma_wait3A_64] : memref<204800x256xf32, #tpu.memory_space<hbm>> -> memref<128x256xf32, #tpu.memory_space<hbm>>
        %dma_wait3A_66 = arith.constant 0 : i32
        %dma_wait3A_67 = tpu.memref_slice %arg4[%add3A_59, %dma_wait3A_66] : memref<204800x256xf32, #tpu.memory_space<hbm>> -> memref<128x256xf32, #tpu.memory_space<hbm>>
        tpu.wait_dma2 semaphore(%run_scoped3A : memref<!tpu.dma_semaphore, #tpu.memory_space<semaphore_mem>>) src(%arg7 : memref<128x256xf32, #tpu.memory_space<vmem>>) dst(%dma_wait3A_67 : memref<128x256xf32, #tpu.memory_space<hbm>>)
        tpu.yield
      }) : () -> ()
    }
    %scan3A_13 = arith.constant 25 : i32
    %dma_wait3A = arith.constant 0 : i32
    %dma_wait3A_14 = arith.constant 0 : i32
    %dma_wait3A_15 = tpu.memref_slice %arg5[%dma_wait3A, %dma_wait3A_14] : memref<50x128xi32, #tpu.memory_space<vmem>> -> memref<1x128xi32, #tpu.memory_space<vmem>>
    %dma_wait3A_16 = tpu.memref_squeeze %dma_wait3A_15 : memref<1x128xi32, #tpu.memory_space<vmem>> -> memref<128xi32, #tpu.memory_space<vmem>>
    %dma_wait3A_17 = arith.constant 0 : i32
    %dma_wait3A_18 = arith.constant 0 : i32
    %dma_wait3A_19 = tpu.memref_slice %arg3[%dma_wait3A_17, %dma_wait3A_18] : memref<886x256xf32, #tpu.memory_space<hbm>> -> memref<886x256xf32, #tpu.memory_space<hbm>>
    tpu.wait_indirect_dma semaphore(%arg8 : memref<!tpu.dma_semaphore, #tpu.memory_space<semaphore_mem>>) src(%dma_wait3A_19 : memref<886x256xf32, #tpu.memory_space<hbm>>) dst(%arg6 : memref<128x256xf32, #tpu.memory_space<vmem>>)
    return
  }
}

</mosaic_0001>

<sc_bundles>
// kernel: _sc_embedding_gather.3.cloned.1.call-start
scs
__scs_entry_jumppad:
0x0: {  	(pc) =	sbr.rel $0x88, $3  }
0x1: {  	(tag) =	ssettag $0x0;
	lr =	simm.s32 $0x1  }
0x2: {  	[smem:$0x3F9F] =	sst lr;
	_ =	strace $0xD0000000  }
0x3: {  	_ = 	snop  }
0x4: {  	_ = 	snop  }
0x5: {  	_ = 	snop  }
0x6: {  	_ = 	snop  }
0x7: {  	_ = 	snop  }
__scs_overlays_trampoline_lowered:
0x8: {  	[smem:$0x3FAE] =	sst s0  }
0x9: {  	[smem:$0x3FAF] =	sst s1  }
0xa: {  	[smem:$0x3FB0] =	sst s2  }
0xb: {  	[smem:$0x3FB1] =	sst s3  }
0xc: {  	[smem:$0x3FB2] =	sst s4  }
0xd: {  	[smem:$0x3FB3] =	sst s5  }
0xe: {  	[smem:$0x3FB4] =	sst s6  }
0xf: {  	[smem:$0x3FB5] =	sst s7  }
0x10: {  	[smem:$0x3FB6] =	sst s8  }
0x11: {  	[smem:$0x3FB7] =	sst s9;
	s0 =	simm.s32 @!p0 $0x0  }
0x12: {  	s1 =	sld [smem:$0x3F9D];
	s0 =	simm.s32 @p0 $0x1  }
0x13: {  	[smem:$0x3FB8] =	sst s0;
	s0 =	simm.s32 @!p1 $0x0  }
0x14: {  	s2 =	sld [smem:$0x3F9C];
	s0 =	simm.s32 @p1 $0x1  }
0x15: {  	[smem:$0x3FB9] =	sst s0;
	s0 =	simm.s32 @!p2 $0x0  }
0x16: {  	s3 =	sld [smem:$0x3FDB];
	s0 =	simm.s32 @p2 $0x1  }
0x17: {  	s4 =	simm.s32 $0x1BF5;
	[smem:$0x3FBB] =	sst s0  }
0x18: {  	s0 =	sld [smem:$0x3F9E];
	_ =	swait.ge [sflag:s4], $0x0  }
0x19: {  	s7 =	sld [smem:$0x3F9F]  }
0x1a: {  	s8 =	sadd.s32 $0xFFFFE003, lr  }
0x1b: {  	s9 =	sadd.s32 $0xFFFFFEF7, lr;
	s5 =	simm.s32 $0xFFFFFFFF;
	p2 =	slt.u32 s8, $0xFFFFF086  }
0x1c: {  	p1 =	slt.u32 s9, $0xF7A;
	s5 =	simm.s32 @!p2 $0x0  }
0x1d: {  	s5 =	simm.s32 @p1 $0x1;
	p0 =	seq.s32 s7, s2  }
0x1e: {  	s7 =	smul.u32 @!p0 $0xF7A, s2;
	p2 =	seq.s32 @!p0 s5, $0x0  }
0x1f: {  	s9 =	smul.u32 $0xF7A, s1;
	s8 =	simm.s32 @!p0 $0x1BF5;
	p2 =	por !p2, p0  }
0x20: {  	[sflag:s8] =	ssyncset.s32 @!p0 $0xFFFFF086;
	s6 =	sadd.s32 @!p0 s3, s7;
	s7 =	simm.s32 @!p0 $0x108  }
0x21: {  	s3 =	sadd.s32 s3, s9;
	s6 =	sadd.s32 @!p0 $0x88, s6;
	s7 =	simm.s32 @p2 $0x1082  }
0x22: {  	[simem:s7], [sflag:s8] =	dma.local @!p0 [hbm:s6], $0xF7A  }
0x23: {  	s9 =	sor.u32 $0xD0000000, s2;
	s6 =	simm.s32 $0x108;
	_ =	swait.ge @!p0 [sflag:s8], $0x0  }
0x24: {  	s3 =	sadd.s32 $0x88, s3;
	s6 =	simm.s32 @!p1 $0x1082;
	[sflag:s4] =	ssyncset.s32 $0xFFFFF086  }
0x25: {  	[simem:s6], [sflag:s4] =	dma.local [hbm:s3], $0xF7A  }
0x26: {  	[smem:$0x3F9F] =	sst s1;
	(tag) =	ssettag s2;
	_ =	strace s9  }
0x27: {  	s1 =	sld [smem:$0x3FAF]  }
0x28: {  	s2 =	sld [smem:$0x3FB0]  }
0x29: {  	s4 =	sld [smem:$0x3FB2]  }
0x2a: {  	p0 =	seq.s32 s5, $0x0;
	s5 =	sld [smem:$0x3FB3]  }
0x2b: {  	s6 =	sld [smem:$0x3FB4]  }
0x2c: {  	s7 =	sld [smem:$0x3FB5]  }
0x2d: {  	s3 =	simm.s32 $0x108;
	s8 =	sld [smem:$0x3FB6]  }
0x2e: {  	s3 =	simm.s32 @!p0 $0x1082;
	s9 =	sld [smem:$0x3FB7]  }
0x2f: {  	lr =	sadd.s32 s0, s3;
	s0 =	sld [smem:$0x3FAE]  }
0x30: {  	s3 =	sld [smem:$0x3FB1]  }
0x31: {  	[smem:$0x3FBA] =	sst s10  }
0x32: {  	s10 =	sld [smem:$0x3FB8];
	_ =	sdelay $0x3  }
0x33: {  	p0 =	seq.s32 s10, $0x1;
	s10 =	sld [smem:$0x3FBA];
	_ =	sdelay $0x3  }
0x34: {  	[smem:$0x3FBA] =	sst s10  }
0x35: {  	s10 =	sld [smem:$0x3FB9];
	_ =	sdelay $0x3  }
0x36: {  	p1 =	seq.s32 s10, $0x1;
	s10 =	sld [smem:$0x3FBA];
	_ =	sdelay $0x3  }
0x37: {  	[smem:$0x3FBA] =	sst s10  }
0x38: {  	s10 =	sld [smem:$0x3FBB]  }
0x39: {  	_ = 	snop;
	(pc) =	sbr.ind lr, $3  }
0x3a: {  	_ = 	snop  }
0x3b: {  	_ = 	snop  }
0x3c: {  	p2 =	seq.s32 s10, $0x1;
	s10 =	sld [smem:$0x3FBA]  }
0x3d: {  	_ =	shalt  }
0x3e: {  	_ =	shalt  }
0x3f: {  	_ =	shalt  }
0x40: {  	_ =	shalt  }
0x41: {  	_ =	shalt  }
0x42: {  	_ =	shalt  }
0x43: {  	_ =	shalt  }
0x44: {  	_ =	shalt  }
0x45: {  	_ =	shalt  }
0x46: {  	_ =	shalt  }
0x47: {  	_ =	shalt  }
0x48: {  	_ =	shalt  }
0x49: {  	_ =	shalt  }
0x4a: {  	_ =	shalt  }
0x4b: {  	_ =	shalt  }
0x4c: {  	_ =	shalt  }
0x4d: {  	_ =	shalt  }
0x4e: {  	_ =	shalt  }
0x4f: {  	_ =	shalt  }
0x50: {  	_ =	shalt  }
0x51: {  	_ =	shalt  }
0x52: {  	_ =	shalt  }
0x53: {  	_ =	shalt  }
0x54: {  	_ =	shalt  }
0x55: {  	_ =	shalt  }
0x56: {  	_ =	shalt  }
0x57: {  	_ =	shalt  }
0x58: {  	_ =	shalt  }
0x59: {  	_ =	shalt  }
0x5a: {  	_ =	shalt  }
0x5b: {  	_ =	shalt  }
0x5c: {  	_ =	shalt  }
0x5d: {  	_ =	shalt  }
0x5e: {  	_ =	shalt  }
0x5f: {  	_ =	shalt  }
0x60: {  	_ =	shalt  }
0x61: {  	_ =	shalt  }
0x62: {  	_ =	shalt  }
0x63: {  	_ =	shalt  }
0x64: {  	_ =	shalt  }
0x65: {  	_ =	shalt  }
0x66: {  	_ =	shalt  }
0x67: {  	_ =	shalt  }
0x68: {  	_ =	shalt  }
0x69: {  	_ =	shalt  }
0x6a: {  	_ =	shalt  }
0x6b: {  	_ =	shalt  }
0x6c: {  	_ =	shalt  }
0x6d: {  	_ =	shalt  }
0x6e: {  	_ =	shalt  }
0x6f: {  	_ =	shalt  }
0x70: {  	_ =	shalt  }
0x71: {  	_ =	shalt  }
0x72: {  	_ =	shalt  }
0x73: {  	_ =	shalt  }
0x74: {  	_ =	shalt  }
0x75: {  	_ =	shalt  }
0x76: {  	_ =	shalt  }
0x77: {  	_ =	shalt  }
0x78: {  	_ =	shalt  }
0x79: {  	_ =	shalt  }
0x7a: {  	_ =	shalt  }
0x7b: {  	_ =	shalt  }
0x7c: {  	_ =	shalt  }
0x7d: {  	_ =	shalt  }
0x7e: {  	_ =	shalt  }
0x7f: {  	_ =	shalt  }
0x80: {  	_ =	shalt  }
0x81: {  	_ =	shalt  }
0x82: {  	_ =	shalt  }
0x83: {  	_ =	shalt  }
0x84: {  	_ =	shalt  }
0x85: {  	_ =	shalt  }
0x86: {  	_ =	shalt  }
0x87: {  	_ =	shalt  }
.Lfunc_end0:
.L_simem_size_0:
called_computation_lowered:
.L_overlay_start_0:
0x88: {  	s2 =	sld [smem:$0x3FD9]  }
0x89: {  	s3 =	sld [smem:$0x3FFE];
	_ =	sdelay $0x1  }
0x8a: {  	s1 =	srdreg.scid  }
0x8b: {  	s0 =	sand.u32 $0x1, s1  }
0x8c: {  	s17 =	sshll.u32 s0, $0xA;
	s2 =	sadd.s32 s3, s2  }
0x8d: {  	s2 =	sadd.s32 s2, s17  }
0x8e: {  	[smem:$0x3FC6] =	sst s2  }
0x8f: {  	_ = 	snop  }
0x90: {  	s2 =	sld [smem:$0x3FC8]  }
0x91: {  	s18 =	sld [smem:$0x3FD0];
	(tm) =	ssettm $0x1  }
0x92: {  	s4 =	sld [smem:$0x3FFB];
	_ =	sdelay $0x3  }
0x93: {  	_ =	strace s4  }
0x94: {  	s4 =	sld [smem:$0x3FFC];
	_ =	sdelay $0x3  }
0x95: {  	_ =	strace s4  }
0x96: {  	s4 =	sld [smem:$0x3FFD];
	_ =	sdelay $0x3  }
0x97: {  	_ =	strace s4  }
0x98: {  	_ =	strace $0x8FFFFFFF  }
0x99: {  	s19 =	sld [smem:$0x3FDB];
	_ =	sdelay $0x1  }
0x9a: {  	s5 =	simm.s32 $_scs_section_size  }
0x9b: {  	s6 =	simm.s32 $_size__tile_overlayer_lowered;
	s7 =	simm.s32 $_tile_overlayer_lowered  }
0x9c: {  	s22 =	simm.s32 $0x1BFF;
	s21 =	sshll.u32 s7, $0x1;
	s4 =	sadd.s32 s5, s19  }
0x9d: {  	s8 =	simm.s32 $0x0;
	s20 =	sshll.u32 s6, $0x1;
	s6 =	sadd.s32 s21, s4  }
0x9e: {  	[timem:s8], [sflag:s22] =	dma.local [hbm:s6], s20  }
0x9f: {  	_ =	swait.ge [sflag:s22], s20  }
0xa0: {  	s5 =	ssub.s32 $0x0, s20;
	[sflag:s22] =	ssyncset.done $0x0  }
0xa1: {  	[sflag:s22] =	ssyncadd.s32 s5;
	_ =	sdelay $0x1  }
0xa2: {  	s23 =	simm.s32 $0x1B8B  }
0xa3: {  	_ =	swait.ge [sflag:s23], $0x1  }
0xa4: {  	[sflag:s23] =	ssyncset.done $0x0  }
0xa5: {  	s25 =	simm.s32 $0x1B8E;
	s24 =	sld [smem:$0x3FFE];
	[sflag:s23] =	ssyncadd.s32 $0xFFFFFFFF  }
0xa6: {  	s26 =	simm.s32 $execute0_lowered;
	[smem:$0x3FD2] =	sst s25  }
0xa7: {  	s6 =	sshll.u32 s26, $0x1;
	_ =	strace $0x80000046;
	[dreg:$0x1] =	wrdreg $0xFFFFFFFF  }
0xa8: {  	s28 =	simm.s32 $_size_execute0_lowered;
	s4 =	sadd.s32 s4, s6;
	[dreg:$0x0] =	wrdreg $0x0  }
0xa9: {  	s6 =	sshll.u32 s28, $0x1;
	[dreg:$0x2] =	wrdreg s4  }
0xaa: {  	[dreg:$0x3] =	wrdreg s6  }
0xab: {  	[dreg:$0x4] =	wrdreg $0xC0  }
0xac: {  	_ =	task [dreg:s8], $0x5FFFF  }
0xad: {  	[dreg:$0x1] =	wrdreg $0xFFFFFFFF  }
0xae: {  	[dreg:$0x0] =	wrdreg $0x60  }
0xaf: {  	[dreg:$0x2] =	wrdreg s24  }
0xb0: {  	[dreg:$0x3] =	wrdreg s2  }
0xb1: {  	[dreg:$0x4] =	wrdreg s18  }
0xb2: {  	[dreg:$0x5] =	wrdreg $0x9  }
0xb3: {  	_ =	task.clear_ibuf [dreg:s8], $0x6FFFF;
	_ =	strace $0x90000046  }
0xb4: {  	s29 =	simm.s32 $0x9;
	_ =	strace $0x80000048  }
0xb5: {  	_ =	swait.ge [sflag:s29], $0x1  }
0xb6: {  	[sflag:s29] =	ssyncadd.s32 $0xFFFFFFFF  }
0xb7: {  	_ =	strace $0x90000048  }
0xb8: {  	_ =	sfence  }
0xb9: {  	s30 =	sld [smem:$0x0];
	_ =	sdelay $0x2  }
0xba: {  	s31 =	sshll.u32 s1, $0xD;
	s1 =	sshrl.u32 s1, $0x2  }
0xbb: {  	s3 =	sand.u32 $0x4000, s31;
	s1 =	sadd.s32 s1, s30  }
0xbc: {  	s0 =	sor.u32 s3, s0;
	s1 =	sshll.u32 s1, $0x11  }
0xbd: {  	s0 =	sor.u32 s1, s0  }
0xbe: {  	s0 =	sadd.s32 $0x8F2B, s0  }
0xbf: {  	[sflag:s0] =	ssyncadd.remote.s32 $0x1  }
0xc0: {  	_ =	sfence.sel $0xFFFF  }
0xc1: {  	[dreg:$0x0] =	wrdreg $0xFFFFFFFF;
	(pc) =	sbr.abs _section_cstart, $3  }
0xc2: {  	[dreg:$0x1] =	wrdreg $0xFFFFFFFF  }
0xc3: {  	_ =	task.clear_ibuf [dreg:s8], $0x2FFFF;
	_ =	strace $0x9FFFFFFF  }
0xc4: {  	(tm) =	ssettm $0x7FFFFFFF  }
0xc5: {  	_ =	shalt  }
tec
execute0_lowered:
.L_overlay_start_1:
0x0: {  	(tag) =	ssettag $0x1  }
0x1: {  	s1 =	rddreg [dreg:$0x0]  }
0x2: {  	s0 =	srdreg.scid;
	s2 =	rddreg [dreg:$0x1]  }
0x3: {  	s9 =	stileid.u32;
	s4 =	rddreg [dreg:$0x2];
	s14 =	simm.s32 $0xA400  }
0x4: {  	s15 =	simm.s32 $0xAC00;
	s16 =	simm.s32 $0xB400;
	s17 =	simm.s32 $0xBC00  }
0x5: {  	s18 =	simm.s32 $0xC400;
	s19 =	simm.s32 $0xCC00;
	s20 =	simm.s32 $0xD400  }
0x6: {  	s21 =	simm.s32 $0xDC00;
	s22 =	simm.s32 $0xE400;
	s23 =	simm.s32 $0xEC00  }
0x7: {  	s24 =	simm.s32 $0xF400;
	s0 =	sand.u32 $0x1, s0;
	s3 =	sshll.u32 s9, $0x1  }
0x8: {  	s25 =	simm.s32 $0xFC00;
	s26 =	simm.s32 $0x10400;
	s3 =	sor.u32 s0, s3  }
0x9: {  	s30 =	simm.s32 $0x10C00;
	s5 =	smul.u32 $0x380, s3;
	s3 =	simm.s32 $0x0  }
0xa: {  	s28 =	simm.s32 $0x2;
	s6 =	smul.u32 $0x320000, s9;
	[smem:$0x7FF] =	sst s3  }
0xb: {  	s9 =	smul.u32 $0x64000, s9;
	_ =	strace $0x80000047;
	[dreg:$0x4] =	wrdreg s14  }
0xc: {  	s29 =	simm.s32 $0x0;
	s7 =	smul.u32 $0x190000, s0;
	[dreg:$0x5] =	wrdreg s15  }
0xd: {  	s8 =	ssub.s32 $0x2, s0;
	s0 =	smul.u32 $0x32000, s0;
	[dreg:$0x6] =	wrdreg s16  }
0xe: {  	s31 =	sshrl.u32 s8, $0x1;
	s10 =	sadd.s32 s9, s4;
	[dreg:$0x7] =	wrdreg s17  }
0xf: {  	s9 =	simm.s32 $0x1C00;
	s6 =	sadd.s32 s7, s6;
	[dreg:$0x8] =	wrdreg s18  }
0x10: {  	s12 =	sadd.s32 s0, s10;
	s10 =	simm.s32 $0x2400;
	[dreg:$0x9] =	wrdreg s19  }
0x11: {  	s1 =	sadd.s32 s5, s1;
	s5 =	ssub.s32 s8, s31;
	[dreg:$0xa] =	wrdreg s20  }
0x12: {  	s11 =	sshrl.u32 s6, $0x3;
	s7 =	sadd.s32 $0x1000, s12;
	[dreg:$0xb] =	wrdreg s21  }
0x13: {  	s8 =	simm.s32 $0x3;
	s12 =	simm.s32 $0x3400;
	[dreg:$0xc] =	wrdreg s22  }
0x14: {  	s14 =	simm.s32 $0x4400;
	s15 =	simm.s32 $0x4C00;
	[dreg:$0xd] =	wrdreg s23  }
0x15: {  	s16 =	simm.s32 $0x5400;
	s17 =	simm.s32 $0x5C00;
	[dreg:$0xe] =	wrdreg s24  }
0x16: {  	s18 =	simm.s32 $0x6400;
	s19 =	simm.s32 $0x6C00;
	[dreg:$0xf] =	wrdreg s25  }
0x17: {  	s20 =	simm.s32 $0x7400;
	s21 =	simm.s32 $0x7C00;
	[dreg:$0x10] =	wrdreg s26  }
0x18: {  	s22 =	simm.s32 $0x8400;
	s23 =	simm.s32 $0x8C00;
	[dreg:$0x11] =	wrdreg s30  }
0x19: {  	s31 =	simm.s32 $0x11400;
	s24 =	simm.s32 $0x9400;
	s25 =	simm.s32 $0x1  }
0x1a: {  	v2 =	vlaneseq.u32;
	s26 =	simm.s32 $0x9C00;
	s1 =	sadd.s32 $0x400, s1;
	[dreg:$0x12] =	wrdreg s31  }
0x1b: {  	vm0 =	vmmov $0xffff;
	v1 =	vshrl.u32 v2, $0x3;
	s13 =	smax.u32 s5, $0x1;
	s0 =	sadd.s32 s11, s4;
	[dreg:$0x13] =	wrdreg s1  }
0x1c: {  	v0 =	vand.u32 $0x7, v2;
	v2 =	vor.u32 $0x8, v2;
	v1 =	vmul.u32 $0x8, v1;
	s11 =	simm.s32 $0x2C00;
	[dreg:$0x14] =	wrdreg s13;
	s13 =	simm.s32 $0x3C00  }
.LBB2_1:
0x1d: {  	s1 =	rddreg [dreg:$0x13]  }
0x1e: {  	[tilespmem:s3], [sflag:$0x3] =	stream.linear.gather [hbm4b:s1+s3], $0x1900, $0x38;
	[tilespmem:$0x11C00] =	vst v63  }
0x1f: {  	_ =	swait.ge [sflag:s8], $0x1900  }
0x20: {  	[sflag:s8] =	ssyncset.done $0x0  }
0x21: {  	[sflag:s8] =	ssyncadd.s32 $0xFFFFE700  }
0x22: {  	v3 =	vld [tilespmem:$0x0];
	_ =	sdelay $0x4  }
0x23: {  	v4 =	vshll.u32 v3, $0x1  }
0x24: {  	v3 =	vand.u32 $0x7, v3;
	v4 =	vand.u32 $0xFFFFFFF0, v4  }
0x25: {  	v3 =	vor.u32 v3, v4  }
0x26: {  	v4 =	vperm.xlane v3, v0;
	_ =	sdelay $0x1  }
0x27: {  	v3 =	vperm.xlane v3, v2;
	v4 =	vadd.s32 v1, v4;
	_ =	sdelay $0x1  }
0x28: {  	v3 =	vadd.s32 v1, v3;
	_ =	sdelay $0x2  }
0x29: {  	[tilespmem:s9], [sflag:$0x1] =	stream.indirect_vreg.gather [hbm4b:s2+s3], $0x80, v4, vm0, $0xb8;
	[tilespmem:$0x11C00] =	vst v63  }
0x2a: {  	_ = 	snop  }
0x2b: {  	[tilespmem:s10], [sflag:$0x1] =	stream.indirect_vreg.gather [hbm4b:s2+s3], $0x80, v3, vm0, $0xb8;
	[tilespmem:$0x11C00] =	vst v63  }
0x2c: {  	v3 =	vld [tilespmem:$0x10];
	_ =	sdelay $0x4  }
0x2d: {  	v57 =	vshll.u32 v3, $0x1  }
0x2e: {  	v3 =	vand.u32 $0x7, v3;
	v4 =	vand.u32 $0xFFFFFFF0, v57  }
0x2f: {  	v3 =	vor.u32 v3, v4  }
0x30: {  	v4 =	vperm.xlane v3, v0;
	_ =	sdelay $0x1  }
0x31: {  	v3 =	vperm.xlane v3, v2;
	v4 =	vadd.s32 v1, v4;
	_ =	sdelay $0x1  }
0x32: {  	v3 =	vadd.s32 v1, v3;
	_ =	sdelay $0x2  }
0x33: {  	[tilespmem:s11], [sflag:$0x1] =	stream.indirect_vreg.gather [hbm4b:s2+s3], $0x80, v4, vm0, $0xb8;
	[tilespmem:$0x11C00] =	vst v63  }
0x34: {  	_ = 	snop  }
0x35: {  	[tilespmem:s12], [sflag:$0x1] =	stream.indirect_vreg.gather [hbm4b:s2+s3], $0x80, v3, vm0, $0xb8;
	[tilespmem:$0x11C00] =	vst v63  }
0x36: {  	v3 =	vld [tilespmem:$0x20];
	_ =	sdelay $0x4  }
0x37: {  	v58 =	vshll.u32 v3, $0x1  }
0x38: {  	v3 =	vand.u32 $0x7, v3;
	v4 =	vand.u32 $0xFFFFFFF0, v58  }
0x39: {  	v3 =	vor.u32 v3, v4  }
0x3a: {  	v4 =	vperm.xlane v3, v0;
	_ =	sdelay $0x1  }
0x3b: {  	v3 =	vperm.xlane v3, v2;
	v4 =	vadd.s32 v1, v4;
	_ =	sdelay $0x1  }
0x3c: {  	v3 =	vadd.s32 v1, v3;
	_ =	sdelay $0x2  }
0x3d: {  	[tilespmem:s13], [sflag:$0x1] =	stream.indirect_vreg.gather [hbm4b:s2+s3], $0x80, v4, vm0, $0xb8;
	[tilespmem:$0x11C00] =	vst v63  }
0x3e: {  	_ = 	snop  }
0x3f: {  	[tilespmem:s14], [sflag:$0x1] =	stream.indirect_vreg.gather [hbm4b:s2+s3], $0x80, v3, vm0, $0xb8;
	[tilespmem:$0x11C00] =	vst v63  }
0x40: {  	v3 =	vld [tilespmem:$0x30];
	_ =	sdelay $0x4  }
0x41: {  	v59 =	vshll.u32 v3, $0x1  }
0x42: {  	v3 =	vand.u32 $0x7, v3;
	v4 =	vand.u32 $0xFFFFFFF0, v59  }
0x43: {  	v3 =	vor.u32 v3, v4  }
0x44: {  	v4 =	vperm.xlane v3, v0;
	_ =	sdelay $0x1  }
0x45: {  	v3 =	vperm.xlane v3, v2;
	v4 =	vadd.s32 v1, v4;
	_ =	sdelay $0x1  }
0x46: {  	v3 =	vadd.s32 v1, v3;
	_ =	sdelay $0x2  }
0x47: {  	[tilespmem:s15], [sflag:$0x1] =	stream.indirect_vreg.gather [hbm4b:s2+s3], $0x80, v4, vm0, $0xb8;
	[tilespmem:$0x11C00] =	vst v63  }
0x48: {  	_ = 	snop  }
0x49: {  	[tilespmem:s16], [sflag:$0x1] =	stream.indirect_vreg.gather [hbm4b:s2+s3], $0x80, v3, vm0, $0xb8;
	[tilespmem:$0x11C00] =	vst v63  }
0x4a: {  	v3 =	vld [tilespmem:$0x40];
	_ =	sdelay $0x4  }
0x4b: {  	v60 =	vshll.u32 v3, $0x1  }
0x4c: {  	v3 =	vand.u32 $0x7, v3;
	v4 =	vand.u32 $0xFFFFFFF0, v60  }
0x4d: {  	v3 =	vor.u32 v3, v4  }
0x4e: {  	v4 =	vperm.xlane v3, v0;
	_ =	sdelay $0x1  }
0x4f: {  	v3 =	vperm.xlane v3, v2;
	v4 =	vadd.s32 v1, v4;
	_ =	sdelay $0x1  }
0x50: {  	v3 =	vadd.s32 v1, v3;
	_ =	sdelay $0x2  }
0x51: {  	[tilespmem:s17], [sflag:$0x1] =	stream.indirect_vreg.gather [hbm4b:s2+s3], $0x80, v4, vm0, $0xb8;
	[tilespmem:$0x11C00] =	vst v63  }
0x52: {  	_ = 	snop  }
0x53: {  	[tilespmem:s18], [sflag:$0x1] =	stream.indirect_vreg.gather [hbm4b:s2+s3], $0x80, v3, vm0, $0xb8;
	[tilespmem:$0x11C00] =	vst v63  }
0x54: {  	v3 =	vld [tilespmem:$0x50];
	_ =	sdelay $0x4  }
0x55: {  	v61 =	vshll.u32 v3, $0x1  }
0x56: {  	v3 =	vand.u32 $0x7, v3;
	v4 =	vand.u32 $0xFFFFFFF0, v61  }
0x57: {  	v3 =	vor.u32 v3, v4  }
0x58: {  	v4 =	vperm.xlane v3, v0;
	_ =	sdelay $0x1  }
0x59: {  	v3 =	vperm.xlane v3, v2;
	v4 =	vadd.s32 v1, v4;
	_ =	sdelay $0x1  }
0x5a: {  	v3 =	vadd.s32 v1, v3;
	_ =	sdelay $0x2  }
0x5b: {  	[tilespmem:s19], [sflag:$0x1] =	stream.indirect_vreg.gather [hbm4b:s2+s3], $0x80, v4, vm0, $0xb8;
	[tilespmem:$0x11C00] =	vst v63  }
0x5c: {  	_ = 	snop  }
0x5d: {  	[tilespmem:s20], [sflag:$0x1] =	stream.indirect_vreg.gather [hbm4b:s2+s3], $0x80, v3, vm0, $0xb8;
	[tilespmem:$0x11C00] =	vst v63  }
0x5e: {  	v3 =	vld [tilespmem:$0x60];
	_ =	sdelay $0x4  }
0x5f: {  	v62 =	vshll.u32 v3, $0x1  }
0x60: {  	v3 =	vand.u32 $0x7, v3;
	v4 =	vand.u32 $0xFFFFFFF0, v62  }
0x61: {  	v3 =	vor.u32 v3, v4  }
0x62: {  	v4 =	vperm.xlane v3, v0;
	_ =	sdelay $0x1  }
0x63: {  	v3 =	vperm.xlane v3, v2;
	v4 =	vadd.s32 v1, v4;
	_ =	sdelay $0x1  }
0x64: {  	v3 =	vadd.s32 v1, v3;
	_ =	sdelay $0x2  }
0x65: {  	[tilespmem:s21], [sflag:$0x1] =	stream.indirect_vreg.gather [hbm4b:s2+s3], $0x80, v4, vm0, $0xb8;
	[tilespmem:$0x11C00] =	vst v63  }
0x66: {  	_ = 	snop  }
0x67: {  	[tilespmem:s22], [sflag:$0x1] =	stream.indirect_vreg.gather [hbm4b:s2+s3], $0x80, v3, vm0, $0xb8;
	[tilespmem:$0x11C00] =	vst v63  }
0x68: {  	v3 =	vld [tilespmem:$0x70];
	_ =	sdelay $0x4  }
0x69: {  	v63 =	vshll.u32 v3, $0x1  }
0x6a: {  	v3 =	vand.u32 $0x7, v3;
	v4 =	vand.u32 $0xFFFFFFF0, v63  }
0x6b: {  	v3 =	vor.u32 v3, v4  }
0x6c: {  	v4 =	vperm.xlane v3, v0;
	_ =	sdelay $0x1  }
0x6d: {  	v3 =	vperm.xlane v3, v2;
	v4 =	vadd.s32 v1, v4;
	_ =	sdelay $0x1  }
0x6e: {  	v3 =	vadd.s32 v1, v3;
	_ =	sdelay $0x1  }
0x6f: {  	s30 =	simm.s32 $0xF0  }
0x70: {  	[tilespmem:s23], [sflag:$0x1] =	stream.indirect_vreg.gather [hbm4b:s2+s3], $0x80, v4, vm0, $0xb8;
	[tilespmem:$0x11C00] =	vst v63  }
0x71: {  	s31 =	smov.u32 s7;
	s6 =	smov.u32 s0;
	s1 =	simm.s32 $0x0  }
0x72: {  	[tilespmem:s24], [sflag:$0x1] =	stream.indirect_vreg.gather [hbm4b:s2+s3], $0x80, v3, vm0, $0xb8;
	[tilespmem:$0x11C00] =	vst v63  }
.LBB2_2:
0x73: {  	_ =	swait.ge [sflag:s25], $0x8000  }
0x74: {  	[sflag:s25] =	ssyncset.done $0x0  }
0x75: {  	[sflag:s25] =	ssyncadd.s32 $0xFFFF8000  }
0x76: {  	v3 =	vld [tilespmem:s30+$0xFFFFFF90];
	_ =	sdelay $0x4  }
0x77: {  	v4 =	vshll.u32 v3, $0x1  }
0x78: {  	v3 =	vand.u32 $0x7, v3;
	v4 =	vand.u32 $0xFFFFFFF0, v4  }
0x79: {  	v3 =	vor.u32 v3, v4  }
0x7a: {  	v4 =	vperm.xlane v3, v0;
	_ =	sdelay $0x1  }
0x7b: {  	v3 =	vperm.xlane v3, v2;
	v4 =	vadd.s32 v1, v4;
	_ =	sdelay $0x1  }
0x7c: {  	v3 =	vadd.s32 v1, v3;
	_ =	sdelay $0x2  }
0x7d: {  	[tilespmem:s26], [sflag:$0x2] =	stream.indirect_vreg.gather [hbm4b:s2+s3], $0x80, v4, vm0, $0xb8;
	[tilespmem:$0x11C00] =	vst v63  }
0x7e: {  	s4 =	rddreg [dreg:$0x4]  }
0x7f: {  	[tilespmem:s4], [sflag:$0x2] =	stream.indirect_vreg.gather [hbm4b:s2+s3], $0x80, v3, vm0, $0xb8;
	[tilespmem:$0x11C00] =	vst v63  }
0x80: {  	v3 =	vld [tilespmem:s30+$0xFFFFFFA0];
	_ =	sdelay $0x4  }
0x81: {  	v49 =	vshll.u32 v3, $0x1  }
0x82: {  	v3 =	vand.u32 $0x7, v3;
	v4 =	vand.u32 $0xFFFFFFF0, v49  }
0x83: {  	v3 =	vor.u32 v3, v4  }
0x84: {  	v4 =	vperm.xlane v3, v0;
	_ =	sdelay $0x1  }
0x85: {  	v3 =	vperm.xlane v3, v2;
	v4 =	vadd.s32 v1, v4;
	_ =	sdelay $0x1  }
0x86: {  	v3 =	vadd.s32 v1, v3;
	_ =	sdelay $0x1  }
0x87: {  	s4 =	rddreg [dreg:$0x5]  }
0x88: {  	[tilespmem:s4], [sflag:$0x2] =	stream.indirect_vreg.gather [hbm4b:s2+s3], $0x80, v4, vm0, $0xb8;
	[tilespmem:$0x11C00] =	vst v63  }
0x89: {  	s5 =	rddreg [dreg:$0x6]  }
0x8a: {  	[tilespmem:s5], [sflag:$0x2] =	stream.indirect_vreg.gather [hbm4b:s2+s3], $0x80, v3, vm0, $0xb8;
	[tilespmem:$0x11C00] =	vst v63  }
0x8b: {  	v3 =	vld [tilespmem:s30+$0xFFFFFFB0];
	_ =	sdelay $0x4  }
0x8c: {  	v50 =	vshll.u32 v3, $0x1  }
0x8d: {  	v3 =	vand.u32 $0x7, v3;
	v4 =	vand.u32 $0xFFFFFFF0, v50  }
0x8e: {  	v3 =	vor.u32 v3, v4  }
0x8f: {  	v4 =	vperm.xlane v3, v0;
	_ =	sdelay $0x1  }
0x90: {  	v3 =	vperm.xlane v3, v2;
	v4 =	vadd.s32 v1, v4;
	_ =	sdelay $0x1  }
0x91: {  	v3 =	vadd.s32 v1, v3;
	_ =	sdelay $0x1  }
0x92: {  	s4 =	rddreg [dreg:$0x7]  }
0x93: {  	[tilespmem:s4], [sflag:$0x2] =	stream.indirect_vreg.gather [hbm4b:s2+s3], $0x80, v4, vm0, $0xb8;
	[tilespmem:$0x11C00] =	vst v63  }
0x94: {  	s5 =	rddreg [dreg:$0x8]  }
0x95: {  	[tilespmem:s5], [sflag:$0x2] =	stream.indirect_vreg.gather [hbm4b:s2+s3], $0x80, v3, vm0, $0xb8;
	[tilespmem:$0x11C00] =	vst v63  }
0x96: {  	v3 =	vld [tilespmem:s30+$0xFFFFFFC0];
	_ =	sdelay $0x4  }
0x97: {  	v51 =	vshll.u32 v3, $0x1  }
0x98: {  	v3 =	vand.u32 $0x7, v3;
	v4 =	vand.u32 $0xFFFFFFF0, v51  }
0x99: {  	v3 =	vor.u32 v3, v4  }
0x9a: {  	v4 =	vperm.xlane v3, v0;
	_ =	sdelay $0x1  }
0x9b: {  	v3 =	vperm.xlane v3, v2;
	v4 =	vadd.s32 v1, v4;
	_ =	sdelay $0x1  }
0x9c: {  	v3 =	vadd.s32 v1, v3;
	_ =	sdelay $0x1  }
0x9d: {  	s4 =	rddreg [dreg:$0x9]  }
0x9e: {  	[tilespmem:s4], [sflag:$0x2] =	stream.indirect_vreg.gather [hbm4b:s2+s3], $0x80, v4, vm0, $0xb8;
	[tilespmem:$0x11C00] =	vst v63  }
0x9f: {  	s5 =	rddreg [dreg:$0xa]  }
0xa0: {  	[tilespmem:s5], [sflag:$0x2] =	stream.indirect_vreg.gather [hbm4b:s2+s3], $0x80, v3, vm0, $0xb8;
	[tilespmem:$0x11C00] =	vst v63  }
0xa1: {  	v3 =	vld [tilespmem:s30+$0xFFFFFFD0];
	_ =	sdelay $0x4  }
0xa2: {  	v52 =	vshll.u32 v3, $0x1  }
0xa3: {  	v3 =	vand.u32 $0x7, v3;
	v4 =	vand.u32 $0xFFFFFFF0, v52  }
0xa4: {  	v3 =	vor.u32 v3, v4  }
0xa5: {  	v4 =	vperm.xlane v3, v0;
	_ =	sdelay $0x1  }
0xa6: {  	v3 =	vperm.xlane v3, v2;
	v4 =	vadd.s32 v1, v4;
	_ =	sdelay $0x1  }
0xa7: {  	v3 =	vadd.s32 v1, v3;
	_ =	sdelay $0x1  }
0xa8: {  	s4 =	rddreg [dreg:$0xb]  }
0xa9: {  	[tilespmem:s4], [sflag:$0x2] =	stream.indirect_vreg.gather [hbm4b:s2+s3], $0x80, v4, vm0, $0xb8;
	[tilespmem:$0x11C00] =	vst v63  }
0xaa: {  	s5 =	rddreg [dreg:$0xc]  }
0xab: {  	[tilespmem:s5], [sflag:$0x2] =	stream.indirect_vreg.gather [hbm4b:s2+s3], $0x80, v3, vm0, $0xb8;
	[tilespmem:$0x11C00] =	vst v63  }
0xac: {  	v3 =	vld [tilespmem:s30+$0xFFFFFFE0];
	_ =	sdelay $0x4  }
0xad: {  	v53 =	vshll.u32 v3, $0x1  }
0xae: {  	v3 =	vand.u32 $0x7, v3;
	v4 =	vand.u32 $0xFFFFFFF0, v53  }
0xaf: {  	v3 =	vor.u32 v3, v4  }
0xb0: {  	v4 =	vperm.xlane v3, v0;
	_ =	sdelay $0x1  }
0xb1: {  	v3 =	vperm.xlane v3, v2;
	v4 =	vadd.s32 v1, v4;
	_ =	sdelay $0x1  }
0xb2: {  	v3 =	vadd.s32 v1, v3;
	_ =	sdelay $0x1  }
0xb3: {  	s4 =	rddreg [dreg:$0xd]  }
0xb4: {  	[tilespmem:s4], [sflag:$0x2] =	stream.indirect_vreg.gather [hbm4b:s2+s3], $0x80, v4, vm0, $0xb8;
	[tilespmem:$0x11C00] =	vst v63  }
0xb5: {  	s5 =	rddreg [dreg:$0xe]  }
0xb6: {  	[tilespmem:s5], [sflag:$0x2] =	stream.indirect_vreg.gather [hbm4b:s2+s3], $0x80, v3, vm0, $0xb8;
	[tilespmem:$0x11C00] =	vst v63  }
0xb7: {  	v3 =	vld [tilespmem:s30+$0xFFFFFFF0];
	_ =	sdelay $0x4  }
0xb8: {  	v54 =	vshll.u32 v3, $0x1  }
0xb9: {  	v3 =	vand.u32 $0x7, v3;
	v4 =	vand.u32 $0xFFFFFFF0, v54  }
0xba: {  	v3 =	vor.u32 v3, v4  }
0xbb: {  	v4 =	vperm.xlane v3, v0;
	_ =	sdelay $0x1  }
0xbc: {  	v3 =	vperm.xlane v3, v2;
	v4 =	vadd.s32 v1, v4;
	_ =	sdelay $0x1  }
0xbd: {  	v3 =	vadd.s32 v1, v3;
	_ =	sdelay $0x1  }
0xbe: {  	s4 =	rddreg [dreg:$0xf]  }
0xbf: {  	[tilespmem:s4], [sflag:$0x2] =	stream.indirect_vreg.gather [hbm4b:s2+s3], $0x80, v4, vm0, $0xb8;
	[tilespmem:$0x11C00] =	vst v63  }
0xc0: {  	s5 =	rddreg [dreg:$0x10]  }
0xc1: {  	[tilespmem:s5], [sflag:$0x2] =	stream.indirect_vreg.gather [hbm4b:s2+s3], $0x80, v3, vm0, $0xb8;
	[tilespmem:$0x11C00] =	vst v63  }
0xc2: {  	v3 =	vld [tilespmem:s30+$0x0];
	_ =	sdelay $0x4  }
0xc3: {  	v55 =	vshll.u32 v3, $0x1  }
0xc4: {  	v3 =	vand.u32 $0x7, v3;
	v4 =	vand.u32 $0xFFFFFFF0, v55  }
0xc5: {  	v3 =	vor.u32 v3, v4  }
0xc6: {  	v4 =	vperm.xlane v3, v0;
	_ =	sdelay $0x1  }
0xc7: {  	v3 =	vperm.xlane v3, v2;
	v4 =	vadd.s32 v1, v4;
	_ =	sdelay $0x1  }
0xc8: {  	v3 =	vadd.s32 v1, v3;
	_ =	sdelay $0x1  }
0xc9: {  	s4 =	rddreg [dreg:$0x11]  }
0xca: {  	[tilespmem:s4], [sflag:$0x2] =	stream.indirect_vreg.gather [hbm4b:s2+s3], $0x80, v4, vm0, $0xb8;
	[tilespmem:$0x11C00] =	vst v63  }
0xcb: {  	s5 =	rddreg [dreg:$0x12]  }
0xcc: {  	[tilespmem:s5], [sflag:$0x2] =	stream.indirect_vreg.gather [hbm4b:s2+s3], $0x80, v3, vm0, $0xb8;
	[tilespmem:$0x11C00] =	vst v63  }
0xcd: {  	_ = 	snop  }
0xce: {  	[hbm4b:s6+s3] =	stream.linear.scatter [tilespmem:s9], [sflag:$0x3], $0x8000, $0x38;
	[tilespmem:$0x11C00] =	vst v63  }
0xcf: {  	_ =	swait.ge [sflag:s8], $0x8000  }
0xd0: {  	[sflag:s8] =	ssyncset.done $0x0  }
0xd1: {  	[sflag:s8] =	ssyncadd.s32 $0xFFFF8000  }
0xd2: {  	_ =	swait.ge [sflag:s28], $0x8000  }
0xd3: {  	s5 =	smin.u32 s1, $0x2F;
	[sflag:s28] =	ssyncset.done $0x0  }
0xd4: {  	s4 =	sshll.u32 s5, $0x7;
	[sflag:s28] =	ssyncadd.s32 $0xFFFF8000  }
0xd5: {  	v3 =	vld [tilespmem:s4+$0x100];
	_ =	sdelay $0x4  }
0xd6: {  	v56 =	vshll.u32 v3, $0x1  }
0xd7: {  	v3 =	vand.u32 $0x7, v3;
	v4 =	vand.u32 $0xFFFFFFF0, v56  }
0xd8: {  	v3 =	vor.u32 v3, v4  }
0xd9: {  	v4 =	vperm.xlane v3, v0;
	_ =	sdelay $0x1  }
0xda: {  	v3 =	vperm.xlane v3, v2;
	v4 =	vadd.s32 v1, v4;
	_ =	sdelay $0x1  }
0xdb: {  	v3 =	vadd.s32 v1, v3;
	_ =	sdelay $0x2  }
0xdc: {  	[tilespmem:s9], [sflag:$0x1] =	stream.indirect_vreg.gather [hbm4b:s2+s3], $0x80, v4, vm0, $0xb8;
	[tilespmem:$0x11C00] =	vst v63  }
0xdd: {  	_ = 	snop  }
0xde: {  	[tilespmem:s10], [sflag:$0x1] =	stream.indirect_vreg.gather [hbm4b:s2+s3], $0x80, v3, vm0, $0xb8;
	[tilespmem:$0x11C00] =	vst v63  }
0xdf: {  	v3 =	vld [tilespmem:s4+$0x110];
	_ =	sdelay $0x4  }
0xe0: {  	v57 =	vshll.u32 v3, $0x1  }
0xe1: {  	v3 =	vand.u32 $0x7, v3;
	v4 =	vand.u32 $0xFFFFFFF0, v57  }
0xe2: {  	v3 =	vor.u32 v3, v4  }
0xe3: {  	v4 =	vperm.xlane v3, v0;
	_ =	sdelay $0x1  }
0xe4: {  	v3 =	vperm.xlane v3, v2;
	v4 =	vadd.s32 v1, v4;
	_ =	sdelay $0x1  }
0xe5: {  	v3 =	vadd.s32 v1, v3;
	_ =	sdelay $0x2  }
0xe6: {  	[tilespmem:s11], [sflag:$0x1] =	stream.indirect_vreg.gather [hbm4b:s2+s3], $0x80, v4, vm0, $0xb8;
	[tilespmem:$0x11C00] =	vst v63  }
0xe7: {  	_ = 	snop  }
0xe8: {  	[tilespmem:s12], [sflag:$0x1] =	stream.indirect_vreg.gather [hbm4b:s2+s3], $0x80, v3, vm0, $0xb8;
	[tilespmem:$0x11C00] =	vst v63  }
0xe9: {  	v3 =	vld [tilespmem:s4+$0x120];
	_ =	sdelay $0x4  }
0xea: {  	v58 =	vshll.u32 v3, $0x1  }
0xeb: {  	v3 =	vand.u32 $0x7, v3;
	v4 =	vand.u32 $0xFFFFFFF0, v58  }
0xec: {  	v3 =	vor.u32 v3, v4  }
0xed: {  	v4 =	vperm.xlane v3, v0;
	_ =	sdelay $0x1  }
0xee: {  	v3 =	vperm.xlane v3, v2;
	v4 =	vadd.s32 v1, v4;
	_ =	sdelay $0x1  }
0xef: {  	v3 =	vadd.s32 v1, v3;
	_ =	sdelay $0x2  }
0xf0: {  	[tilespmem:s13], [sflag:$0x1] =	stream.indirect_vreg.gather [hbm4b:s2+s3], $0x80, v4, vm0, $0xb8;
	[tilespmem:$0x11C00] =	vst v63  }
0xf1: {  	_ = 	snop  }
0xf2: {  	[tilespmem:s14], [sflag:$0x1] =	stream.indirect_vreg.gather [hbm4b:s2+s3], $0x80, v3, vm0, $0xb8;
	[tilespmem:$0x11C00] =	vst v63  }
0xf3: {  	v3 =	vld [tilespmem:s4+$0x130];
	_ =	sdelay $0x4  }
0xf4: {  	v59 =	vshll.u32 v3, $0x1  }
0xf5: {  	v3 =	vand.u32 $0x7, v3;
	v4 =	vand.u32 $0xFFFFFFF0, v59  }
0xf6: {  	v3 =	vor.u32 v3, v4  }
0xf7: {  	v4 =	vperm.xlane v3, v0;
	_ =	sdelay $0x1  }
0xf8: {  	v3 =	vperm.xlane v3, v2;
	v4 =	vadd.s32 v1, v4;
	_ =	sdelay $0x1  }
0xf9: {  	v3 =	vadd.s32 v1, v3;
	_ =	sdelay $0x2  }
0xfa: {  	[tilespmem:s15], [sflag:$0x1] =	stream.indirect_vreg.gather [hbm4b:s2+s3], $0x80, v4, vm0, $0xb8;
	[tilespmem:$0x11C00] =	vst v63  }
0xfb: {  	_ = 	snop  }
0xfc: {  	[tilespmem:s16], [sflag:$0x1] =	stream.indirect_vreg.gather [hbm4b:s2+s3], $0x80, v3, vm0, $0xb8;
	[tilespmem:$0x11C00] =	vst v63  }
0xfd: {  	v3 =	vld [tilespmem:s4+$0x140];
	_ =	sdelay $0x4  }
0xfe: {  	v60 =	vshll.u32 v3, $0x1  }
0xff: {  	v3 =	vand.u32 $0x7, v3;
	v4 =	vand.u32 $0xFFFFFFF0, v60  }
0x100: {  	v3 =	vor.u32 v3, v4  }
0x101: {  	v4 =	vperm.xlane v3, v0;
	_ =	sdelay $0x1  }
0x102: {  	v3 =	vperm.xlane v3, v2;
	v4 =	vadd.s32 v1, v4;
	_ =	sdelay $0x1  }
0x103: {  	v3 =	vadd.s32 v1, v3;
	_ =	sdelay $0x2  }
0x104: {  	[tilespmem:s17], [sflag:$0x1] =	stream.indirect_vreg.gather [hbm4b:s2+s3], $0x80, v4, vm0, $0xb8;
	[tilespmem:$0x11C00] =	vst v63  }
0x105: {  	_ = 	snop  }
0x106: {  	[tilespmem:s18], [sflag:$0x1] =	stream.indirect_vreg.gather [hbm4b:s2+s3], $0x80, v3, vm0, $0xb8;
	[tilespmem:$0x11C00] =	vst v63  }
0x107: {  	v3 =	vld [tilespmem:s4+$0x150];
	_ =	sdelay $0x4  }
0x108: {  	v61 =	vshll.u32 v3, $0x1  }
0x109: {  	v3 =	vand.u32 $0x7, v3;
	v4 =	vand.u32 $0xFFFFFFF0, v61  }
0x10a: {  	v3 =	vor.u32 v3, v4  }
0x10b: {  	v4 =	vperm.xlane v3, v0;
	_ =	sdelay $0x1  }
0x10c: {  	v3 =	vperm.xlane v3, v2;
	v4 =	vadd.s32 v1, v4;
	_ =	sdelay $0x1  }
0x10d: {  	v3 =	vadd.s32 v1, v3;
	_ =	sdelay $0x2  }
0x10e: {  	[tilespmem:s19], [sflag:$0x1] =	stream.indirect_vreg.gather [hbm4b:s2+s3], $0x80, v4, vm0, $0xb8;
	[tilespmem:$0x11C00] =	vst v63  }
0x10f: {  	_ = 	snop  }
0x110: {  	[tilespmem:s20], [sflag:$0x1] =	stream.indirect_vreg.gather [hbm4b:s2+s3], $0x80, v3, vm0, $0xb8;
	[tilespmem:$0x11C00] =	vst v63  }
0x111: {  	v3 =	vld [tilespmem:s4+$0x160];
	_ =	sdelay $0x4  }
0x112: {  	v62 =	vshll.u32 v3, $0x1  }
0x113: {  	v3 =	vand.u32 $0x7, v3;
	v4 =	vand.u32 $0xFFFFFFF0, v62  }
0x114: {  	v3 =	vor.u32 v3, v4  }
0x115: {  	v4 =	vperm.xlane v3, v0;
	_ =	sdelay $0x1  }
0x116: {  	v3 =	vperm.xlane v3, v2;
	v4 =	vadd.s32 v1, v4;
	_ =	sdelay $0x1  }
0x117: {  	v3 =	vadd.s32 v1, v3;
	_ =	sdelay $0x2  }
0x118: {  	[tilespmem:s21], [sflag:$0x1] =	stream.indirect_vreg.gather [hbm4b:s2+s3], $0x80, v4, vm0, $0xb8;
	[tilespmem:$0x11C00] =	vst v63  }
0x119: {  	_ = 	snop  }
0x11a: {  	[tilespmem:s22], [sflag:$0x1] =	stream.indirect_vreg.gather [hbm4b:s2+s3], $0x80, v3, vm0, $0xb8;
	[tilespmem:$0x11C00] =	vst v63  }
0x11b: {  	v3 =	vld [tilespmem:s4+$0x170];
	_ =	sdelay $0x4  }
0x11c: {  	v63 =	vshll.u32 v3, $0x1  }
0x11d: {  	v3 =	vand.u32 $0x7, v3;
	v4 =	vand.u32 $0xFFFFFFF0, v63  }
0x11e: {  	v3 =	vor.u32 v3, v4  }
0x11f: {  	v4 =	vperm.xlane v3, v0;
	_ =	sdelay $0x1  }
0x120: {  	v3 =	vperm.xlane v3, v2;
	v4 =	vadd.s32 v1, v4;
	_ =	sdelay $0x1  }
0x121: {  	v3 =	vadd.s32 v1, v3;
	_ =	sdelay $0x2  }
0x122: {  	[tilespmem:s23], [sflag:$0x1] =	stream.indirect_vreg.gather [hbm4b:s2+s3], $0x80, v4, vm0, $0xb8;
	[tilespmem:$0x11C00] =	vst v63  }
0x123: {  	p0 =	sne.s32 s1, $0x30  }
0x124: {  	[tilespmem:s24], [sflag:$0x1] =	stream.indirect_vreg.gather [hbm4b:s2+s3], $0x80, v3, vm0, $0xb8;
	[tilespmem:$0x11C00] =	vst v63  }
.Ltmp0:
0x125: {  	_ = 	snop;
	(pc) =	sbr.rel @p0 .LBB2_2-.Ltmp0, $4  }
0x126: {  	[hbm4b:s31+s3] =	stream.linear.scatter [tilespmem:s26], [sflag:$0x3], $0x8000, $0x38;
	[tilespmem:$0x11C00] =	vst v63  }
0x127: {  	_ =	swait.ge [sflag:s8], $0x8000  }
0x128: {  	s30 =	sadd.s32 $0x100, s30;
	s1 =	sadd.s32 $0x2, s1;
	[sflag:s8] =	ssyncset.done $0x0  }
0x129: {  	s6 =	sadd.s32 $0x2000, s6;
	s31 =	sadd.s32 $0x2000, s31;
	[sflag:s8] =	ssyncadd.s32 $0xFFFF8000  }
0x12a: {  	_ =	swait.ge [sflag:s25], $0x8000  }
0x12b: {  	s29 =	sadd.s32 $0x1, s29;
	s1 =	rddreg [dreg:$0x14]  }
0x12c: {  	p0 =	sne.s32 s29, s1  }
.Ltmp1:
0x12d: {  	_ = 	snop;
	(pc) =	sbr.rel @p0 .LBB2_1-.Ltmp1, $3  }
0x12e: {  	_ =	sdelay $0x1  }
0x12f: {  	[sflag:s25] =	ssyncset.done $0x0  }
0x130: {  	[sflag:s25] =	ssyncadd.s32 $0xFFFF8000  }
0x131: {  	_ =	sfence.sel $0x180000  }
0x132: {  	[bflag:$0x0] =	sbarrier.arrive $0xFFFF  }
0x133: {  	_ =	strace $0x90000047  }
0x134: {  	s0 =	stileid.u32;
	[bflag:$0x2] =	sbarrier.arrive $0xFFFF  }
0x135: {  	p0 =	sne.s32 s0, $0x0;
	s0 =	rddreg [dreg:$0x3]  }
0x136: {  	s0 =	sadd.s32 @!p0 $0x100000, s0  }
0x137: {  	[sflag:s0] =	ssyncadd.tile.s32 @!p0 $0x1;
	_ =	shalt  }
.Lfunc_end2:
_tile_overlayer_lowered:
.L_overlay_start_2:
0x138: {  	(tag) =	ssettag $0x2  }
0x139: {  	s0 =	rddreg [dreg:$0x0];
	s2 =	stileid.u32  }
0x13a: {  	s1 =	rddreg [dreg:$0x1];
	p0 =	sne.s32 s2, $0x0  }
0x13b: {  	s3 =	rddreg [dreg:$0x2];
	[bflag:$0x3] =	sbarrier.arrive $0xFFFF;
	s2 =	simm.s32 @!p0 $0x1C03  }
0x13c: {  	[timem:s3], [sflag:s2] =	dma.local @!p0 [hbm:s0], s1  }
0x13d: {  	s0 =	simm.s32 @!p0 $0x3  }
0x13e: {  	_ =	swait.ge @!p0 [sflag:s0], s1  }
0x13f: {  	s1 =	ssub.s32 @!p0 $0x0, s1;
	[sflag:s0] =	ssyncset.done @!p0 $0x0  }
0x140: {  	[sflag:s0] =	ssyncadd.s32 @!p0 s1  }
0x141: {  	[bflag:$0x3] =	sbarrier.arrive $0xFFFF  }
0x142: {  	_ =	shalt  }

</sc_bundles>
